<compile_context>
chip_gen: v7x
topology: tpu7x:2x2x1
jax: 0.10.2.dev20260603
libtpu: 0.0.44.dev20260713+nightly
codegen_flags: <defaults>
</compile_context>

<pallas_src>
import functools

import jax
import jax.numpy as jnp
from jax import lax
from jax.experimental import pallas as pl
from jax.experimental.pallas import tpu as pltpu
from jax.experimental.pallas import tpu_sc as plsc

N = 10000
E = 160000
CHW = 128
NS = 16
CHUNK = 64
E_PAD = 163840
IDX_ROWS = E_PAD // CHUNK
AGG_ROWS_PER_TILE = IDX_ROWS // NS
DEG_ROWS_PER_TILE = IDX_ROWS // (2 * NS)
ACC_ROWS = 10240
TRASH = 10100
BLK = 1000
DEGW = 8


def _memset_rows(ref, n_rows, n_cols, value):
    vec = jnp.full((16,), value, jnp.float32)

    def body(i, _):
        for j in range(n_cols // 16):
            ref[i, pl.ds(j * 16, 16)] = vec
        return 0

    lax.fori_loop(0, n_rows, body, 0)


def _deg_body(dst2d, out, idx_v, ones_v, acc, sem):
    c = lax.axis_index("c")
    t = lax.axis_index("s")
    wid = c * NS + t

    zrows = ACC_ROWS // NS
    _memset_rows(ones_v, CHUNK, CHW, 0.0)
    for j in range(zrows // CHUNK):
        pltpu.sync_copy(ones_v, acc.at[pl.ds(t * zrows + j * CHUNK, CHUNK)])
    _memset_rows(ones_v, CHUNK, CHW, 1.0)
    plsc.subcore_barrier()

    pltpu.sync_copy(dst2d.at[pl.ds(wid * DEG_ROWS_PER_TILE, DEG_ROWS_PER_TILE)],
                    idx_v)

    def body(i, _):
        pltpu.async_copy(ones_v, acc.at[idx_v.at[i]], sem, add=True)
        return 0

    lax.fori_loop(0, DEG_ROWS_PER_TILE, body, 0)

    def drain(i, _):
        pltpu.make_async_copy(ones_v, acc.at[idx_v.at[0]], sem).wait()
        return 0

    lax.fori_loop(0, DEG_ROWS_PER_TILE, drain, 0)
    plsc.subcore_barrier()

    pltpu.sync_copy(acc.at[pl.ds(t * zrows, zrows)],
                    out.at[c, pl.ds(t * zrows, zrows)])


@functools.partial(jax.jit)
def _deg_call(dst2d):
    mesh = plsc.VectorSubcoreMesh(core_axis_name="c", subcore_axis_name="s", num_cores=2, num_subcores=NS)
    f = pl.kernel(
        _deg_body,
        out_type=jax.ShapeDtypeStruct((2, ACC_ROWS, CHW), jnp.float32),
        mesh=mesh,
        scratch_types=[
            pltpu.VMEM((DEG_ROWS_PER_TILE, CHUNK), jnp.int32),
            pltpu.VMEM((CHUNK, CHW), jnp.float32),
            pltpu.VMEM_SHARED((ACC_ROWS, CHW), jnp.float32),
            pltpu.SemaphoreType.DMA,
        ],
    )
    return f(dst2d)


IDX_PHASES = 4
PHASE_ROWS = AGG_ROWS_PER_TILE // IDX_PHASES
NBUF = 4


def _agg_body(s0, s1, src2d, dst2d, out0, out1,
              idxs_v, idxd_v, rows_v, acc, gsem, ssem):
    c = lax.axis_index("c")
    t = lax.axis_index("s")

    _memset_rows(rows_v.at[0], CHUNK, CHW, 0.0)
    zrows = ACC_ROWS // NS
    for j in range(zrows // CHUNK):
        pltpu.async_copy(rows_v.at[0],
                         acc.at[pl.ds(t * zrows + j * CHUNK, CHUNK)], gsem)
    for j in range(zrows // CHUNK):
        pltpu.make_async_copy(rows_v.at[0], acc.at[pl.ds(0, CHUNK)],
                              gsem).wait()

    def run(s_hbm, out_hbm):
        def gstart(k, b):
            pltpu.async_copy(s_hbm.at[idxs_v.at[k]], rows_v.at[b], gsem)

        def gwait(b):
            pltpu.make_async_copy(s_hbm.at[idxs_v.at[0]], rows_v.at[b],
                                  gsem).wait()

        def sstart(k, b):
            pltpu.async_copy(rows_v.at[b], acc.at[idxd_v.at[k]], ssem,
                             add=True)

        def swait(b):
            pltpu.make_async_copy(rows_v.at[b], acc.at[idxd_v.at[0]],
                                  ssem).wait()

        for p in range(IDX_PHASES):
            base = t * AGG_ROWS_PER_TILE + p * PHASE_ROWS
            pltpu.sync_copy(src2d.at[pl.ds(base, PHASE_ROWS)], idxs_v)
            pltpu.sync_copy(dst2d.at[pl.ds(base, PHASE_ROWS)], idxd_v)
            gstart(0, 0)
            gstart(1, 1)
            gstart(2, 2)
            if p == 0:
                plsc.subcore_barrier()

            def lbody(j, _):
                for q in range(NBUF):
                    k = j * NBUF + q
                    gwait(q)
                    sstart(k, q)

                    @pl.when(k >= 1)
                    def _():
                        swait((q + 3) % NBUF)

                    @pl.when(k + 3 < PHASE_ROWS)
                    def _():
                        gstart(k + 3, (q + 3) % NBUF)
                return 0

            lax.fori_loop(0, PHASE_ROWS // NBUF, lbody, 0)
            swait((PHASE_ROWS - 1) % NBUF)
        plsc.subcore_barrier()
        orows = ACC_ROWS // NS
        pltpu.sync_copy(acc.at[pl.ds(t * orows, orows)],
                        out_hbm.at[pl.ds(t * orows, orows)])

    @pl.when(c == 0)
    def _():
        run(s0, out0)

    @pl.when(c == 1)
    def _():
        run(s1, out1)


@functools.partial(jax.jit)
def _agg_call(s0, s1, src2d, dst2d):
    mesh = plsc.VectorSubcoreMesh(core_axis_name="c", subcore_axis_name="s", num_cores=2, num_subcores=NS)
    f = pl.kernel(
        _agg_body,
        out_type=[jax.ShapeDtypeStruct((ACC_ROWS, CHW), jnp.float32),
                  jax.ShapeDtypeStruct((ACC_ROWS, CHW), jnp.float32)],
        mesh=mesh,
        scratch_types=[
            pltpu.VMEM((PHASE_ROWS, CHUNK), jnp.int32),
            pltpu.VMEM((PHASE_ROWS, CHUNK), jnp.int32),
            pltpu.VMEM((NBUF, CHUNK, CHW), jnp.float32),
            pltpu.VMEM_SHARED((ACC_ROWS, CHW), jnp.float32),
            pltpu.SemaphoreType.DMA,
            pltpu.SemaphoreType.DMA,
        ],
    )
    return f(s0, s1, src2d, dst2d)


def _dis(deg0_ref, deg1_ref):
    deg = deg0_ref[:, 0] + deg1_ref[:, 0] + 1.0
    return lax.rsqrt(deg)


def _t1_body(deg0, deg1, x_ref, w_ref, s0_ref, s1_ref):
    dis = _dis(deg0, deg1)
    h = jnp.dot(x_ref[...], w_ref[...], preferred_element_type=jnp.float32)
    s = h * dis[:, None]
    s0_ref[...] = s[:, :CHW]
    s1_ref[...] = s[:, CHW:]


def _t2_body(deg0, deg1, a0, a1, s0, s1, b_ref, w_ref, o0_ref, o1_ref):
    dis = _dis(deg0, deg1)
    h0 = jnp.maximum((a0[...] + s0[...]) * dis[:, None] + b_ref[0, :CHW], 0.0)
    h1 = jnp.maximum((a1[...] + s1[...]) * dis[:, None] + b_ref[0, CHW:], 0.0)
    h = jnp.concatenate([h0, h1], axis=1)
    s2 = jnp.dot(h, w_ref[...], preferred_element_type=jnp.float32)
    s2 = s2 * dis[:, None]
    o0_ref[...] = s2[:, :CHW]
    o1_ref[...] = s2[:, CHW:]


def _t3_body(deg0, deg1, a0, a1, s0, s1, b_ref, w_ref, bl_ref, out_ref):
    dis = _dis(deg0, deg1)
    h0 = jnp.maximum((a0[...] + s0[...]) * dis[:, None] + b_ref[0, :CHW], 0.0)
    h1 = jnp.maximum((a1[...] + s1[...]) * dis[:, None] + b_ref[0, CHW:], 0.0)
    h = jnp.concatenate([h0, h1], axis=1)
    out_ref[...] = (jnp.dot(h, w_ref[...], preferred_element_type=jnp.float32)
                    + bl_ref[0, :])


def _row_spec(cols):
    return pl.BlockSpec((BLK, cols), lambda i: (i, 0))


def _full_spec(shape):
    return pl.BlockSpec(shape, lambda i: tuple(0 for _ in shape))


def _t1_call(deg0, deg1, x, w1):
    return pl.pallas_call(
        _t1_body,
        grid=(N // BLK,),
        in_specs=[_row_spec(DEGW), _row_spec(DEGW), _row_spec(256),
                  _full_spec((256, 256))],
        out_specs=[_row_spec(CHW), _row_spec(CHW)],
        out_shape=[jax.ShapeDtypeStruct((N, CHW), jnp.float32),
                   jax.ShapeDtypeStruct((N, CHW), jnp.float32)],
    )(deg0, deg1, x, w1)


def _t2_call(deg0, deg1, a0, a1, s0, s1, b, w):
    return pl.pallas_call(
        _t2_body,
        grid=(N // BLK,),
        in_specs=[_row_spec(DEGW), _row_spec(DEGW),
                  _row_spec(CHW), _row_spec(CHW),
                  _row_spec(CHW), _row_spec(CHW),
                  _full_spec((1, 256)), _full_spec((256, 256))],
        out_specs=[_row_spec(CHW), _row_spec(CHW)],
        out_shape=[jax.ShapeDtypeStruct((N, CHW), jnp.float32),
                   jax.ShapeDtypeStruct((N, CHW), jnp.float32)],
    )(deg0, deg1, a0, a1, s0, s1, b, w)


def _t3_call(deg0, deg1, a0, a1, s0, s1, b, w, bl):
    return pl.pallas_call(
        _t3_body,
        grid=(N // BLK,),
        in_specs=[_row_spec(DEGW), _row_spec(DEGW),
                  _row_spec(CHW), _row_spec(CHW),
                  _row_spec(CHW), _row_spec(CHW),
                  _full_spec((1, 256)), _full_spec((256, CHW)),
                  _full_spec((1, CHW))],
        out_specs=_row_spec(CHW),
        out_shape=jax.ShapeDtypeStruct((N, CHW), jnp.float32),
    )(deg0, deg1, a0, a1, s0, s1, b, w, bl)


def kernel(x, edge_index, W1, b1, W2, b2, Wl, bl):
    src = edge_index[0].astype(jnp.int32)
    dst = edge_index[1].astype(jnp.int32)
    pad = E_PAD - E
    src2d = jnp.concatenate(
        [src, jnp.zeros((pad,), jnp.int32)]).reshape(IDX_ROWS, CHUNK)
    dst2d = jnp.concatenate(
        [dst, jnp.full((pad,), TRASH, jnp.int32)]).reshape(IDX_ROWS, CHUNK)

    degp = _deg_call(dst2d)
    deg0 = degp[0, :N, :DEGW]
    deg1 = degp[1, :N, :DEGW]

    s0, s1 = _t1_call(deg0, deg1, x, W1)
    a0, a1 = _agg_call(s0, s1, src2d, dst2d)
    s2_0, s2_1 = _t2_call(deg0, deg1, a0, a1, s0, s1,
                          b1.reshape(1, -1), W2)
    a2_0, a2_1 = _agg_call(s2_0, s2_1, src2d, dst2d)
    out = _t3_call(deg0, deg1, a2_0, a2_1, s2_0, s2_1,
                   b2.reshape(1, -1), Wl, bl.reshape(1, -1))
    return out

# --- scband reference (transcript-rebuilt; emitter-appended) ---
"""Pipeline reference for scband-simple-gcn-24885040513185 (READ-ONLY COPY).

The authoritative reference and input builder live on the scoring server;
editing this copy changes nothing except your own understanding.
"""

import jax, jax.numpy as jnp
import numpy as np

N_NODES = 10000
N_EDGES = 160000
IN_CH = 256
HID_CH = 256
OUT_CH = 128


def setup_inputs(seed: int = 0) -> dict:
    key = jax.random.key(seed)
    k = jax.random.split(key, 8)
    x = jax.random.normal(k[0], (N_NODES, IN_CH), dtype=jnp.float32)
    edge_index = jax.random.randint(k[1], (2, N_EDGES), 0, N_NODES, dtype=jnp.int64)
    W1 = jax.random.normal(k[2], (IN_CH, HID_CH), dtype=jnp.float32) * (1.0 / np.sqrt(IN_CH))
    b1 = jnp.zeros((HID_CH,), dtype=jnp.float32)
    W2 = jax.random.normal(k[3], (HID_CH, HID_CH), dtype=jnp.float32) * (1.0 / np.sqrt(HID_CH))
    b2 = jnp.zeros((HID_CH,), dtype=jnp.float32)
    Wl = jax.random.normal(k[4], (HID_CH, OUT_CH), dtype=jnp.float32) * (1.0 / np.sqrt(HID_CH))
    bl = jnp.zeros((OUT_CH,), dtype=jnp.float32)
    return {"x": x, "edge_index": edge_index, "W1": W1, "b1": b1, "W2": W2, "b2": b2, "Wl": Wl, "bl": bl}


def gcn_conv(x, src, dst, W, b, num_nodes):
    # GCNConv: add self-loops, symmetric normalization D^{-1/2} A_hat D^{-1/2} (X W) + b
    h = x @ W
    deg = jnp.zeros((num_nodes,), dtype=x.dtype).at[dst].add(1.0)
    deg_inv_sqrt = jnp.where(deg > 0, jax.lax.rsqrt(jnp.maximum(deg, 1e-12)), 0.0)
    norm = deg_inv_sqrt[src] * deg_inv_sqrt[dst]
    msg = h[src] * norm[:, None]
    out = jnp.zeros((num_nodes, W.shape[1]), dtype=x.dtype).at[dst].add(msg)
    return out + b


def reference(x, edge_index, W1, b1, W2, b2, Wl, bl):
    num_nodes = x.shape[0]
    loop = jnp.arange(num_nodes, dtype=edge_index.dtype)
    src = jnp.concatenate([edge_index[0], loop])
    dst = jnp.concatenate([edge_index[1], loop])
    h = gcn_conv(x, src, dst, W1, b1, num_nodes)
    h = jax.nn.relu(h)
    h = gcn_conv(h, src, dst, W2, b2, num_nodes)
    h = jax.nn.relu(h)
    # dropout is identity in eval mode (training=False)
    return h @ Wl + bl

if __name__ == "__main__":
    import jax
    _d = setup_inputs()
    print(jax.jit(kernel)(*tuple(_d.values())))

</pallas_src>

<mosaic_0001>
#map = affine_map<(d0, d1) -> (0, 0)>
#map1 = affine_map<(d0, d1) -> (0, 0, 0)>
module attributes {stable_mosaic.version = 14 : i64} {
  func.func @_deg_body(%arg0: i32, %arg1: i32, %arg2: memref<2560x64xi32, #tpu.memory_space<hbm>>, %arg3: memref<2x10240x128xf32, #tpu.memory_space<hbm>>, %arg4: memref<80x64xi32, #tpu.memory_space<vmem>>, %arg5: memref<64x128xf32, #tpu.memory_space<vmem>>, %arg6: memref<10240x128xf32, #tpu.memory_space<vmem_shared>>, %arg7: memref<!tpu.dma_semaphore, #tpu.memory_space<semaphore_mem>>) attributes {dimension_semantics = [#tpu.dimension_semantics<core_parallel>, #tpu.dimension_semantics<subcore_parallel>], iteration_bounds = array<i64: 2, 16>, scalar_prefetch = 0 : i64, scratch_operands = 4 : i64, tpu.core_type = #tpu.core_type<sc_vector_subcore>, window_params = [{transform_indices = #map}, {transform_indices = #map1}]} {
    %mul3A = arith.constant 16 : i32
    %mul3A_0 = arith.muli %arg0, %mul3A : i32
    %add3A = arith.addi %mul3A_0, %arg1 : i32
    %broadcast_in_dim3A = arith.constant 0.000000e+00 : f32
    %broadcast_in_dim3A_1 = vector.broadcast %broadcast_in_dim3A : f32 to vector<16xf32>
    %scan3A = arith.constant 0 : i32
    %scan3A_2 = arith.constant 0 : i32
    %scan3A_3 = arith.constant 64 : i32
    %scan3A_4 = arith.addi %scan3A_2, %scan3A_3 : i32
    %scan3A_5 = arith.constant 1 : i32
    %scan3A_6 = scf.for %scan3A_78 = %scan3A_2 to %scan3A_4 step %scan3A_5 iter_args(%scan3A_79 = %scan3A) -> (i32)  : i32 {
      %swap3A = arith.index_cast %scan3A_78 : i32 to index
      %swap3A_80 = arith.constant 0 : index
      %swap3A_81 = tpu.vector_load %arg5[%swap3A, %swap3A_80] {strides = array<i32>} : memref<64x128xf32, #tpu.memory_space<vmem>>, vector<1x16xf32>,
      %swap3A_82 = vector.shape_cast %swap3A_81 : vector<1x16xf32> to vector<16xf32>
      %swap3A_83 = vector.shape_cast %broadcast_in_dim3A_1 : vector<16xf32> to vector<1x16xf32>
      tpu.vector_store %arg5[%swap3A, %swap3A_80], %swap3A_83 {strides = array<i32>} : memref<64x128xf32, #tpu.memory_space<vmem>>, vector<1x16xf32>,
      %swap3A_84 = arith.index_cast %scan3A_78 : i32 to index
      %swap3A_85 = arith.constant 16 : index
      %swap3A_86 = tpu.vector_load %arg5[%swap3A_84, %swap3A_85] {strides = array<i32>} : memref<64x128xf32, #tpu.memory_space<vmem>>, vector<1x16xf32>,
      %swap3A_87 = vector.shape_cast %swap3A_86 : vector<1x16xf32> to vector<16xf32>
      %swap3A_88 = vector.shape_cast %broadcast_in_dim3A_1 : vector<16xf32> to vector<1x16xf32>
      tpu.vector_store %arg5[%swap3A_84, %swap3A_85], %swap3A_88 {strides = array<i32>} : memref<64x128xf32, #tpu.memory_space<vmem>>, vector<1x16xf32>,
      %swap3A_89 = arith.index_cast %scan3A_78 : i32 to index
      %swap3A_90 = arith.constant 32 : index
      %swap3A_91 = tpu.vector_load %arg5[%swap3A_89, %swap3A_90] {strides = array<i32>} : memref<64x128xf32, #tpu.memory_space<vmem>>, vector<1x16xf32>,
      %swap3A_92 = vector.shape_cast %swap3A_91 : vector<1x16xf32> to vector<16xf32>
      %swap3A_93 = vector.shape_cast %broadcast_in_dim3A_1 : vector<16xf32> to vector<1x16xf32>
      tpu.vector_store %arg5[%swap3A_89, %swap3A_90], %swap3A_93 {strides = array<i32>} : memref<64x128xf32, #tpu.memory_space<vmem>>, vector<1x16xf32>,
      %swap3A_94 = arith.index_cast %scan3A_78 : i32 to index
      %swap3A_95 = arith.constant 48 : index
      %swap3A_96 = tpu.vector_load %arg5[%swap3A_94, %swap3A_95] {strides = array<i32>} : memref<64x128xf32, #tpu.memory_space<vmem>>, vector<1x16xf32>,
      %swap3A_97 = vector.shape_cast %swap3A_96 : vector<1x16xf32> to vector<16xf32>
      %swap3A_98 = vector.shape_cast %broadcast_in_dim3A_1 : vector<16xf32> to vector<1x16xf32>
      tpu.vector_store %arg5[%swap3A_94, %swap3A_95], %swap3A_98 {strides = array<i32>} : memref<64x128xf32, #tpu.memory_space<vmem>>, vector<1x16xf32>,
      %swap3A_99 = arith.index_cast %scan3A_78 : i32 to index
      %swap3A_100 = arith.constant 64 : index
      %swap3A_101 = tpu.vector_load %arg5[%swap3A_99, %swap3A_100] {strides = array<i32>} : memref<64x128xf32, #tpu.memory_space<vmem>>, vector<1x16xf32>,
      %swap3A_102 = vector.shape_cast %swap3A_101 : vector<1x16xf32> to vector<16xf32>
      %swap3A_103 = vector.shape_cast %broadcast_in_dim3A_1 : vector<16xf32> to vector<1x16xf32>
      tpu.vector_store %arg5[%swap3A_99, %swap3A_100], %swap3A_103 {strides = array<i32>} : memref<64x128xf32, #tpu.memory_space<vmem>>, vector<1x16xf32>,
      %swap3A_104 = arith.index_cast %scan3A_78 : i32 to index
      %swap3A_105 = arith.constant 80 : index
      %swap3A_106 = tpu.vector_load %arg5[%swap3A_104, %swap3A_105] {strides = array<i32>} : memref<64x128xf32, #tpu.memory_space<vmem>>, vector<1x16xf32>,
      %swap3A_107 = vector.shape_cast %swap3A_106 : vector<1x16xf32> to vector<16xf32>
      %swap3A_108 = vector.shape_cast %broadcast_in_dim3A_1 : vector<16xf32> to vector<1x16xf32>
      tpu.vector_store %arg5[%swap3A_104, %swap3A_105], %swap3A_108 {strides = array<i32>} : memref<64x128xf32, #tpu.memory_space<vmem>>, vector<1x16xf32>,
      %swap3A_109 = arith.index_cast %scan3A_78 : i32 to index
      %swap3A_110 = arith.constant 96 : index
      %swap3A_111 = tpu.vector_load %arg5[%swap3A_109, %swap3A_110] {strides = array<i32>} : memref<64x128xf32, #tpu.memory_space<vmem>>, vector<1x16xf32>,
      %swap3A_112 = vector.shape_cast %swap3A_111 : vector<1x16xf32> to vector<16xf32>
      %swap3A_113 = vector.shape_cast %broadcast_in_dim3A_1 : vector<16xf32> to vector<1x16xf32>
      tpu.vector_store %arg5[%swap3A_109, %swap3A_110], %swap3A_113 {strides = array<i32>} : memref<64x128xf32, #tpu.memory_space<vmem>>, vector<1x16xf32>,
      %swap3A_114 = arith.index_cast %scan3A_78 : i32 to index
      %swap3A_115 = arith.constant 112 : index
      %swap3A_116 = tpu.vector_load %arg5[%swap3A_114, %swap3A_115] {strides = array<i32>} : memref<64x128xf32, #tpu.memory_space<vmem>>, vector<1x16xf32>,
      %swap3A_117 = vector.shape_cast %swap3A_116 : vector<1x16xf32> to vector<16xf32>
      %swap3A_118 = vector.shape_cast %broadcast_in_dim3A_1 : vector<16xf32> to vector<1x16xf32>
      tpu.vector_store %arg5[%swap3A_114, %swap3A_115], %swap3A_118 {strides = array<i32>} : memref<64x128xf32, #tpu.memory_space<vmem>>, vector<1x16xf32>,
      %scan3A_119 = arith.constant 0 : i32
      scf.yield %scan3A_119 : i32
    }
    %scan3A_7 = arith.constant 64 : i32
    %mul3A_8 = arith.constant 640 : i32
    %mul3A_9 = arith.muli %arg1, %mul3A_8 : i32
    %add3A_10 = arith.constant 0 : i32
    %add3A_11 = arith.addi %mul3A_9, %add3A_10 : i32
    "tpu.region"() ({
      %run_scoped3A = tpu.sem_alloc : memref<!tpu.dma_semaphore, #tpu.memory_space<semaphore_mem>>
      %dma_start3A = arith.constant 0 : i32
      %dma_start3A_78 = tpu.memref_slice %arg6[%add3A_11, %dma_start3A] : memref<10240x128xf32, #tpu.memory_space<vmem_shared>> -> memref<64x128xf32, #tpu.memory_space<vmem_shared>>
      %dma_start3A_79 = arith.constant 0 : i32
      %dma_start3A_80 = tpu.memref_slice %arg6[%add3A_11, %dma_start3A_79] : memref<10240x128xf32, #tpu.memory_space<vmem_shared>> -> memref<64x128xf32, #tpu.memory_space<vmem_shared>>
      tpu.enqueue_dma source(%arg5 : memref<64x128xf32, #tpu.memory_space<vmem>>) target(%dma_start3A_80 : memref<64x128xf32, #tpu.memory_space<vmem_shared>>) target_semaphore(%run_scoped3A : memref<!tpu.dma_semaphore, #tpu.memory_space<semaphore_mem>>)
      %dma_wait3A = arith.constant 0 : i32
      %dma_wait3A_81 = tpu.memref_slice %arg6[%add3A_11, %dma_wait3A] : memref<10240x128xf32, #tpu.memory_space<vmem_shared>> -> memref<64x128xf32, #tpu.memory_space<vmem_shared>>
      %dma_wait3A_82 = arith.constant 0 : i32
      %dma_wait3A_83 = tpu.memref_slice %arg6[%add3A_11, %dma_wait3A_82] : memref<10240x128xf32, #tpu.memory_space<vmem_shared>> -> memref<64x128xf32, #tpu.memory_space<vmem_shared>>
      tpu.wait_dma2 semaphore(%run_scoped3A : memref<!tpu.dma_semaphore, #tpu.memory_space<semaphore_mem>>) src(%arg5 : memref<64x128xf32, #tpu.memory_space<vmem>>) dst(%dma_wait3A_83 : memref<64x128xf32, #tpu.memory_space<vmem_shared>>)
      tpu.yield
    }) : () -> ()
    %mul3A_12 = arith.constant 640 : i32
    %mul3A_13 = arith.muli %arg1, %mul3A_12 : i32
    %add3A_14 = arith.constant 64 : i32
    %add3A_15 = arith.addi %mul3A_13, %add3A_14 : i32
    "tpu.region"() ({
      %run_scoped3A = tpu.sem_alloc : memref<!tpu.dma_semaphore, #tpu.memory_space<semaphore_mem>>
      %dma_start3A = arith.constant 0 : i32
      %dma_start3A_78 = tpu.memref_slice %arg6[%add3A_15, %dma_start3A] : memref<10240x128xf32, #tpu.memory_space<vmem_shared>> -> memref<64x128xf32, #tpu.memory_space<vmem_shared>>
      %dma_start3A_79 = arith.constant 0 : i32
      %dma_start3A_80 = tpu.memref_slice %arg6[%add3A_15, %dma_start3A_79] : memref<10240x128xf32, #tpu.memory_space<vmem_shared>> -> memref<64x128xf32, #tpu.memory_space<vmem_shared>>
      tpu.enqueue_dma source(%arg5 : memref<64x128xf32, #tpu.memory_space<vmem>>) target(%dma_start3A_80 : memref<64x128xf32, #tpu.memory_space<vmem_shared>>) target_semaphore(%run_scoped3A : memref<!tpu.dma_semaphore, #tpu.memory_space<semaphore_mem>>)
      %dma_wait3A = arith.constant 0 : i32
      %dma_wait3A_81 = tpu.memref_slice %arg6[%add3A_15, %dma_wait3A] : memref<10240x128xf32, #tpu.memory_space<vmem_shared>> -> memref<64x128xf32, #tpu.memory_space<vmem_shared>>
      %dma_wait3A_82 = arith.constant 0 : i32
      %dma_wait3A_83 = tpu.memref_slice %arg6[%add3A_15, %dma_wait3A_82] : memref<10240x128xf32, #tpu.memory_space<vmem_shared>> -> memref<64x128xf32, #tpu.memory_space<vmem_shared>>
      tpu.wait_dma2 semaphore(%run_scoped3A : memref<!tpu.dma_semaphore, #tpu.memory_space<semaphore_mem>>) src(%arg5 : memref<64x128xf32, #tpu.memory_space<vmem>>) dst(%dma_wait3A_83 : memref<64x128xf32, #tpu.memory_space<vmem_shared>>)
      tpu.yield
    }) : () -> ()
    %mul3A_16 = arith.constant 640 : i32
    %mul3A_17 = arith.muli %arg1, %mul3A_16 : i32
    %add3A_18 = arith.constant 128 : i32
    %add3A_19 = arith.addi %mul3A_17, %add3A_18 : i32
    "tpu.region"() ({
      %run_scoped3A = tpu.sem_alloc : memref<!tpu.dma_semaphore, #tpu.memory_space<semaphore_mem>>
      %dma_start3A = arith.constant 0 : i32
      %dma_start3A_78 = tpu.memref_slice %arg6[%add3A_19, %dma_start3A] : memref<10240x128xf32, #tpu.memory_space<vmem_shared>> -> memref<64x128xf32, #tpu.memory_space<vmem_shared>>
      %dma_start3A_79 = arith.constant 0 : i32
      %dma_start3A_80 = tpu.memref_slice %arg6[%add3A_19, %dma_start3A_79] : memref<10240x128xf32, #tpu.memory_space<vmem_shared>> -> memref<64x128xf32, #tpu.memory_space<vmem_shared>>
      tpu.enqueue_dma source(%arg5 : memref<64x128xf32, #tpu.memory_space<vmem>>) target(%dma_start3A_80 : memref<64x128xf32, #tpu.memory_space<vmem_shared>>) target_semaphore(%run_scoped3A : memref<!tpu.dma_semaphore, #tpu.memory_space<semaphore_mem>>)
      %dma_wait3A = arith.constant 0 : i32
      %dma_wait3A_81 = tpu.memref_slice %arg6[%add3A_19, %dma_wait3A] : memref<10240x128xf32, #tpu.memory_space<vmem_shared>> -> memref<64x128xf32, #tpu.memory_space<vmem_shared>>
      %dma_wait3A_82 = arith.constant 0 : i32
      %dma_wait3A_83 = tpu.memref_slice %arg6[%add3A_19, %dma_wait3A_82] : memref<10240x128xf32, #tpu.memory_space<vmem_shared>> -> memref<64x128xf32, #tpu.memory_space<vmem_shared>>
      tpu.wait_dma2 semaphore(%run_scoped3A : memref<!tpu.dma_semaphore, #tpu.memory_space<semaphore_mem>>) src(%arg5 : memref<64x128xf32, #tpu.memory_space<vmem>>) dst(%dma_wait3A_83 : memref<64x128xf32, #tpu.memory_space<vmem_shared>>)
      tpu.yield
    }) : () -> ()
    %mul3A_20 = arith.constant 640 : i32
    %mul3A_21 = arith.muli %arg1, %mul3A_20 : i32
    %add3A_22 = arith.constant 192 : i32
    %add3A_23 = arith.addi %mul3A_21, %add3A_22 : i32
    "tpu.region"() ({
      %run_scoped3A = tpu.sem_alloc : memref<!tpu.dma_semaphore, #tpu.memory_space<semaphore_mem>>
      %dma_start3A = arith.constant 0 : i32
      %dma_start3A_78 = tpu.memref_slice %arg6[%add3A_23, %dma_start3A] : memref<10240x128xf32, #tpu.memory_space<vmem_shared>> -> memref<64x128xf32, #tpu.memory_space<vmem_shared>>
      %dma_start3A_79 = arith.constant 0 : i32
      %dma_start3A_80 = tpu.memref_slice %arg6[%add3A_23, %dma_start3A_79] : memref<10240x128xf32, #tpu.memory_space<vmem_shared>> -> memref<64x128xf32, #tpu.memory_space<vmem_shared>>
      tpu.enqueue_dma source(%arg5 : memref<64x128xf32, #tpu.memory_space<vmem>>) target(%dma_start3A_80 : memref<64x128xf32, #tpu.memory_space<vmem_shared>>) target_semaphore(%run_scoped3A : memref<!tpu.dma_semaphore, #tpu.memory_space<semaphore_mem>>)
      %dma_wait3A = arith.constant 0 : i32
      %dma_wait3A_81 = tpu.memref_slice %arg6[%add3A_23, %dma_wait3A] : memref<10240x128xf32, #tpu.memory_space<vmem_shared>> -> memref<64x128xf32, #tpu.memory_space<vmem_shared>>
      %dma_wait3A_82 = arith.constant 0 : i32
      %dma_wait3A_83 = tpu.memref_slice %arg6[%add3A_23, %dma_wait3A_82] : memref<10240x128xf32, #tpu.memory_space<vmem_shared>> -> memref<64x128xf32, #tpu.memory_space<vmem_shared>>
      tpu.wait_dma2 semaphore(%run_scoped3A : memref<!tpu.dma_semaphore, #tpu.memory_space<semaphore_mem>>) src(%arg5 : memref<64x128xf32, #tpu.memory_space<vmem>>) dst(%dma_wait3A_83 : memref<64x128xf32, #tpu.memory_space<vmem_shared>>)
      tpu.yield
    }) : () -> ()
    %mul3A_24 = arith.constant 640 : i32
    %mul3A_25 = arith.muli %arg1, %mul3A_24 : i32
    %add3A_26 = arith.constant 256 : i32
    %add3A_27 = arith.addi %mul3A_25, %add3A_26 : i32
    "tpu.region"() ({
      %run_scoped3A = tpu.sem_alloc : memref<!tpu.dma_semaphore, #tpu.memory_space<semaphore_mem>>
      %dma_start3A = arith.constant 0 : i32
      %dma_start3A_78 = tpu.memref_slice %arg6[%add3A_27, %dma_start3A] : memref<10240x128xf32, #tpu.memory_space<vmem_shared>> -> memref<64x128xf32, #tpu.memory_space<vmem_shared>>
      %dma_start3A_79 = arith.constant 0 : i32
      %dma_start3A_80 = tpu.memref_slice %arg6[%add3A_27, %dma_start3A_79] : memref<10240x128xf32, #tpu.memory_space<vmem_shared>> -> memref<64x128xf32, #tpu.memory_space<vmem_shared>>
      tpu.enqueue_dma source(%arg5 : memref<64x128xf32, #tpu.memory_space<vmem>>) target(%dma_start3A_80 : memref<64x128xf32, #tpu.memory_space<vmem_shared>>) target_semaphore(%run_scoped3A : memref<!tpu.dma_semaphore, #tpu.memory_space<semaphore_mem>>)
      %dma_wait3A = arith.constant 0 : i32
      %dma_wait3A_81 = tpu.memref_slice %arg6[%add3A_27, %dma_wait3A] : memref<10240x128xf32, #tpu.memory_space<vmem_shared>> -> memref<64x128xf32, #tpu.memory_space<vmem_shared>>
      %dma_wait3A_82 = arith.constant 0 : i32
      %dma_wait3A_83 = tpu.memref_slice %arg6[%add3A_27, %dma_wait3A_82] : memref<10240x128xf32, #tpu.memory_space<vmem_shared>> -> memref<64x128xf32, #tpu.memory_space<vmem_shared>>
      tpu.wait_dma2 semaphore(%run_scoped3A : memref<!tpu.dma_semaphore, #tpu.memory_space<semaphore_mem>>) src(%arg5 : memref<64x128xf32, #tpu.memory_space<vmem>>) dst(%dma_wait3A_83 : memref<64x128xf32, #tpu.memory_space<vmem_shared>>)
      tpu.yield
    }) : () -> ()
    %mul3A_28 = arith.constant 640 : i32
    %mul3A_29 = arith.muli %arg1, %mul3A_28 : i32
    %add3A_30 = arith.constant 320 : i32
    %add3A_31 = arith.addi %mul3A_29, %add3A_30 : i32
    "tpu.region"() ({
      %run_scoped3A = tpu.sem_alloc : memref<!tpu.dma_semaphore, #tpu.memory_space<semaphore_mem>>
      %dma_start3A = arith.constant 0 : i32
      %dma_start3A_78 = tpu.memref_slice %arg6[%add3A_31, %dma_start3A] : memref<10240x128xf32, #tpu.memory_space<vmem_shared>> -> memref<64x128xf32, #tpu.memory_space<vmem_shared>>
      %dma_start3A_79 = arith.constant 0 : i32
      %dma_start3A_80 = tpu.memref_slice %arg6[%add3A_31, %dma_start3A_79] : memref<10240x128xf32, #tpu.memory_space<vmem_shared>> -> memref<64x128xf32, #tpu.memory_space<vmem_shared>>
      tpu.enqueue_dma source(%arg5 : memref<64x128xf32, #tpu.memory_space<vmem>>) target(%dma_start3A_80 : memref<64x128xf32, #tpu.memory_space<vmem_shared>>) target_semaphore(%run_scoped3A : memref<!tpu.dma_semaphore, #tpu.memory_space<semaphore_mem>>)
      %dma_wait3A = arith.constant 0 : i32
      %dma_wait3A_81 = tpu.memref_slice %arg6[%add3A_31, %dma_wait3A] : memref<10240x128xf32, #tpu.memory_space<vmem_shared>> -> memref<64x128xf32, #tpu.memory_space<vmem_shared>>
      %dma_wait3A_82 = arith.constant 0 : i32
      %dma_wait3A_83 = tpu.memref_slice %arg6[%add3A_31, %dma_wait3A_82] : memref<10240x128xf32, #tpu.memory_space<vmem_shared>> -> memref<64x128xf32, #tpu.memory_space<vmem_shared>>
      tpu.wait_dma2 semaphore(%run_scoped3A : memref<!tpu.dma_semaphore, #tpu.memory_space<semaphore_mem>>) src(%arg5 : memref<64x128xf32, #tpu.memory_space<vmem>>) dst(%dma_wait3A_83 : memref<64x128xf32, #tpu.memory_space<vmem_shared>>)
      tpu.yield
    }) : () -> ()
    %mul3A_32 = arith.constant 640 : i32
    %mul3A_33 = arith.muli %arg1, %mul3A_32 : i32
    %add3A_34 = arith.constant 384 : i32
    %add3A_35 = arith.addi %mul3A_33, %add3A_34 : i32
    "tpu.region"() ({
      %run_scoped3A = tpu.sem_alloc : memref<!tpu.dma_semaphore, #tpu.memory_space<semaphore_mem>>
      %dma_start3A = arith.constant 0 : i32
      %dma_start3A_78 = tpu.memref_slice %arg6[%add3A_35, %dma_start3A] : memref<10240x128xf32, #tpu.memory_space<vmem_shared>> -> memref<64x128xf32, #tpu.memory_space<vmem_shared>>
      %dma_start3A_79 = arith.constant 0 : i32
      %dma_start3A_80 = tpu.memref_slice %arg6[%add3A_35, %dma_start3A_79] : memref<10240x128xf32, #tpu.memory_space<vmem_shared>> -> memref<64x128xf32, #tpu.memory_space<vmem_shared>>
      tpu.enqueue_dma source(%arg5 : memref<64x128xf32, #tpu.memory_space<vmem>>) target(%dma_start3A_80 : memref<64x128xf32, #tpu.memory_space<vmem_shared>>) target_semaphore(%run_scoped3A : memref<!tpu.dma_semaphore, #tpu.memory_space<semaphore_mem>>)
      %dma_wait3A = arith.constant 0 : i32
      %dma_wait3A_81 = tpu.memref_slice %arg6[%add3A_35, %dma_wait3A] : memref<10240x128xf32, #tpu.memory_space<vmem_shared>> -> memref<64x128xf32, #tpu.memory_space<vmem_shared>>
      %dma_wait3A_82 = arith.constant 0 : i32
      %dma_wait3A_83 = tpu.memref_slice %arg6[%add3A_35, %dma_wait3A_82] : memref<10240x128xf32, #tpu.memory_space<vmem_shared>> -> memref<64x128xf32, #tpu.memory_space<vmem_shared>>
      tpu.wait_dma2 semaphore(%run_scoped3A : memref<!tpu.dma_semaphore, #tpu.memory_space<semaphore_mem>>) src(%arg5 : memref<64x128xf32, #tpu.memory_space<vmem>>) dst(%dma_wait3A_83 : memref<64x128xf32, #tpu.memory_space<vmem_shared>>)
      tpu.yield
    }) : () -> ()
    %mul3A_36 = arith.constant 640 : i32
    %mul3A_37 = arith.muli %arg1, %mul3A_36 : i32
    %add3A_38 = arith.constant 448 : i32
    %add3A_39 = arith.addi %mul3A_37, %add3A_38 : i32
    "tpu.region"() ({
      %run_scoped3A = tpu.sem_alloc : memref<!tpu.dma_semaphore, #tpu.memory_space<semaphore_mem>>
      %dma_start3A = arith.constant 0 : i32
      %dma_start3A_78 = tpu.memref_slice %arg6[%add3A_39, %dma_start3A] : memref<10240x128xf32, #tpu.memory_space<vmem_shared>> -> memref<64x128xf32, #tpu.memory_space<vmem_shared>>
      %dma_start3A_79 = arith.constant 0 : i32
      %dma_start3A_80 = tpu.memref_slice %arg6[%add3A_39, %dma_start3A_79] : memref<10240x128xf32, #tpu.memory_space<vmem_shared>> -> memref<64x128xf32, #tpu.memory_space<vmem_shared>>
      tpu.enqueue_dma source(%arg5 : memref<64x128xf32, #tpu.memory_space<vmem>>) target(%dma_start3A_80 : memref<64x128xf32, #tpu.memory_space<vmem_shared>>) target_semaphore(%run_scoped3A : memref<!tpu.dma_semaphore, #tpu.memory_space<semaphore_mem>>)
      %dma_wait3A = arith.constant 0 : i32
      %dma_wait3A_81 = tpu.memref_slice %arg6[%add3A_39, %dma_wait3A] : memref<10240x128xf32, #tpu.memory_space<vmem_shared>> -> memref<64x128xf32, #tpu.memory_space<vmem_shared>>
      %dma_wait3A_82 = arith.constant 0 : i32
      %dma_wait3A_83 = tpu.memref_slice %arg6[%add3A_39, %dma_wait3A_82] : memref<10240x128xf32, #tpu.memory_space<vmem_shared>> -> memref<64x128xf32, #tpu.memory_space<vmem_shared>>
      tpu.wait_dma2 semaphore(%run_scoped3A : memref<!tpu.dma_semaphore, #tpu.memory_space<semaphore_mem>>) src(%arg5 : memref<64x128xf32, #tpu.memory_space<vmem>>) dst(%dma_wait3A_83 : memref<64x128xf32, #tpu.memory_space<vmem_shared>>)
      tpu.yield
    }) : () -> ()
    %mul3A_40 = arith.constant 640 : i32
    %mul3A_41 = arith.muli %arg1, %mul3A_40 : i32
    %add3A_42 = arith.constant 512 : i32
    %add3A_43 = arith.addi %mul3A_41, %add3A_42 : i32
    "tpu.region"() ({
      %run_scoped3A = tpu.sem_alloc : memref<!tpu.dma_semaphore, #tpu.memory_space<semaphore_mem>>
      %dma_start3A = arith.constant 0 : i32
      %dma_start3A_78 = tpu.memref_slice %arg6[%add3A_43, %dma_start3A] : memref<10240x128xf32, #tpu.memory_space<vmem_shared>> -> memref<64x128xf32, #tpu.memory_space<vmem_shared>>
      %dma_start3A_79 = arith.constant 0 : i32
      %dma_start3A_80 = tpu.memref_slice %arg6[%add3A_43, %dma_start3A_79] : memref<10240x128xf32, #tpu.memory_space<vmem_shared>> -> memref<64x128xf32, #tpu.memory_space<vmem_shared>>
      tpu.enqueue_dma source(%arg5 : memref<64x128xf32, #tpu.memory_space<vmem>>) target(%dma_start3A_80 : memref<64x128xf32, #tpu.memory_space<vmem_shared>>) target_semaphore(%run_scoped3A : memref<!tpu.dma_semaphore, #tpu.memory_space<semaphore_mem>>)
      %dma_wait3A = arith.constant 0 : i32
      %dma_wait3A_81 = tpu.memref_slice %arg6[%add3A_43, %dma_wait3A] : memref<10240x128xf32, #tpu.memory_space<vmem_shared>> -> memref<64x128xf32, #tpu.memory_space<vmem_shared>>
      %dma_wait3A_82 = arith.constant 0 : i32
      %dma_wait3A_83 = tpu.memref_slice %arg6[%add3A_43, %dma_wait3A_82] : memref<10240x128xf32, #tpu.memory_space<vmem_shared>> -> memref<64x128xf32, #tpu.memory_space<vmem_shared>>
      tpu.wait_dma2 semaphore(%run_scoped3A : memref<!tpu.dma_semaphore, #tpu.memory_space<semaphore_mem>>) src(%arg5 : memref<64x128xf32, #tpu.memory_space<vmem>>) dst(%dma_wait3A_83 : memref<64x128xf32, #tpu.memory_space<vmem_shared>>)
      tpu.yield
    }) : () -> ()
    %mul3A_44 = arith.constant 640 : i32
    %mul3A_45 = arith.muli %arg1, %mul3A_44 : i32
    %add3A_46 = arith.constant 576 : i32
    %add3A_47 = arith.addi %mul3A_45, %add3A_46 : i32
    "tpu.region"() ({
      %run_scoped3A = tpu.sem_alloc : memref<!tpu.dma_semaphore, #tpu.memory_space<semaphore_mem>>
      %dma_start3A = arith.constant 0 : i32
      %dma_start3A_78 = tpu.memref_slice %arg6[%add3A_47, %dma_start3A] : memref<10240x128xf32, #tpu.memory_space<vmem_shared>> -> memref<64x128xf32, #tpu.memory_space<vmem_shared>>
      %dma_start3A_79 = arith.constant 0 : i32
      %dma_start3A_80 = tpu.memref_slice %arg6[%add3A_47, %dma_start3A_79] : memref<10240x128xf32, #tpu.memory_space<vmem_shared>> -> memref<64x128xf32, #tpu.memory_space<vmem_shared>>
      tpu.enqueue_dma source(%arg5 : memref<64x128xf32, #tpu.memory_space<vmem>>) target(%dma_start3A_80 : memref<64x128xf32, #tpu.memory_space<vmem_shared>>) target_semaphore(%run_scoped3A : memref<!tpu.dma_semaphore, #tpu.memory_space<semaphore_mem>>)
      %dma_wait3A = arith.constant 0 : i32
      %dma_wait3A_81 = tpu.memref_slice %arg6[%add3A_47, %dma_wait3A] : memref<10240x128xf32, #tpu.memory_space<vmem_shared>> -> memref<64x128xf32, #tpu.memory_space<vmem_shared>>
      %dma_wait3A_82 = arith.constant 0 : i32
      %dma_wait3A_83 = tpu.memref_slice %arg6[%add3A_47, %dma_wait3A_82] : memref<10240x128xf32, #tpu.memory_space<vmem_shared>> -> memref<64x128xf32, #tpu.memory_space<vmem_shared>>
      tpu.wait_dma2 semaphore(%run_scoped3A : memref<!tpu.dma_semaphore, #tpu.memory_space<semaphore_mem>>) src(%arg5 : memref<64x128xf32, #tpu.memory_space<vmem>>) dst(%dma_wait3A_83 : memref<64x128xf32, #tpu.memory_space<vmem_shared>>)
      tpu.yield
    }) : () -> ()
    %broadcast_in_dim3A_48 = arith.constant 1.000000e+00 : f32
    %broadcast_in_dim3A_49 = vector.broadcast %broadcast_in_dim3A_48 : f32 to vector<16xf32>
    %scan3A_50 = arith.constant 0 : i32
    %scan3A_51 = arith.constant 0 : i32
    %scan3A_52 = arith.constant 64 : i32
    %scan3A_53 = arith.addi %scan3A_51, %scan3A_52 : i32
    %scan3A_54 = arith.constant 1 : i32
    %scan3A_55 = scf.for %scan3A_78 = %scan3A_51 to %scan3A_53 step %scan3A_54 iter_args(%scan3A_79 = %scan3A_50) -> (i32)  : i32 {
      %swap3A = arith.index_cast %scan3A_78 : i32 to index
      %swap3A_80 = arith.constant 0 : index
      %swap3A_81 = tpu.vector_load %arg5[%swap3A, %swap3A_80] {strides = array<i32>} : memref<64x128xf32, #tpu.memory_space<vmem>>, vector<1x16xf32>,
      %swap3A_82 = vector.shape_cast %swap3A_81 : vector<1x16xf32> to vector<16xf32>
      %swap3A_83 = vector.shape_cast %broadcast_in_dim3A_49 : vector<16xf32> to vector<1x16xf32>
      tpu.vector_store %arg5[%swap3A, %swap3A_80], %swap3A_83 {strides = array<i32>} : memref<64x128xf32, #tpu.memory_space<vmem>>, vector<1x16xf32>,
      %swap3A_84 = arith.index_cast %scan3A_78 : i32 to index
      %swap3A_85 = arith.constant 16 : index
      %swap3A_86 = tpu.vector_load %arg5[%swap3A_84, %swap3A_85] {strides = array<i32>} : memref<64x128xf32, #tpu.memory_space<vmem>>, vector<1x16xf32>,
      %swap3A_87 = vector.shape_cast %swap3A_86 : vector<1x16xf32> to vector<16xf32>
      %swap3A_88 = vector.shape_cast %broadcast_in_dim3A_49 : vector<16xf32> to vector<1x16xf32>
      tpu.vector_store %arg5[%swap3A_84, %swap3A_85], %swap3A_88 {strides = array<i32>} : memref<64x128xf32, #tpu.memory_space<vmem>>, vector<1x16xf32>,
      %swap3A_89 = arith.index_cast %scan3A_78 : i32 to index
      %swap3A_90 = arith.constant 32 : index
      %swap3A_91 = tpu.vector_load %arg5[%swap3A_89, %swap3A_90] {strides = array<i32>} : memref<64x128xf32, #tpu.memory_space<vmem>>, vector<1x16xf32>,
      %swap3A_92 = vector.shape_cast %swap3A_91 : vector<1x16xf32> to vector<16xf32>
      %swap3A_93 = vector.shape_cast %broadcast_in_dim3A_49 : vector<16xf32> to vector<1x16xf32>
      tpu.vector_store %arg5[%swap3A_89, %swap3A_90], %swap3A_93 {strides = array<i32>} : memref<64x128xf32, #tpu.memory_space<vmem>>, vector<1x16xf32>,
      %swap3A_94 = arith.index_cast %scan3A_78 : i32 to index
      %swap3A_95 = arith.constant 48 : index
      %swap3A_96 = tpu.vector_load %arg5[%swap3A_94, %swap3A_95] {strides = array<i32>} : memref<64x128xf32, #tpu.memory_space<vmem>>, vector<1x16xf32>,
      %swap3A_97 = vector.shape_cast %swap3A_96 : vector<1x16xf32> to vector<16xf32>
      %swap3A_98 = vector.shape_cast %broadcast_in_dim3A_49 : vector<16xf32> to vector<1x16xf32>
      tpu.vector_store %arg5[%swap3A_94, %swap3A_95], %swap3A_98 {strides = array<i32>} : memref<64x128xf32, #tpu.memory_space<vmem>>, vector<1x16xf32>,
      %swap3A_99 = arith.index_cast %scan3A_78 : i32 to index
      %swap3A_100 = arith.constant 64 : index
      %swap3A_101 = tpu.vector_load %arg5[%swap3A_99, %swap3A_100] {strides = array<i32>} : memref<64x128xf32, #tpu.memory_space<vmem>>, vector<1x16xf32>,
      %swap3A_102 = vector.shape_cast %swap3A_101 : vector<1x16xf32> to vector<16xf32>
      %swap3A_103 = vector.shape_cast %broadcast_in_dim3A_49 : vector<16xf32> to vector<1x16xf32>
      tpu.vector_store %arg5[%swap3A_99, %swap3A_100], %swap3A_103 {strides = array<i32>} : memref<64x128xf32, #tpu.memory_space<vmem>>, vector<1x16xf32>,
      %swap3A_104 = arith.index_cast %scan3A_78 : i32 to index
      %swap3A_105 = arith.constant 80 : index
      %swap3A_106 = tpu.vector_load %arg5[%swap3A_104, %swap3A_105] {strides = array<i32>} : memref<64x128xf32, #tpu.memory_space<vmem>>, vector<1x16xf32>,
      %swap3A_107 = vector.shape_cast %swap3A_106 : vector<1x16xf32> to vector<16xf32>
      %swap3A_108 = vector.shape_cast %broadcast_in_dim3A_49 : vector<16xf32> to vector<1x16xf32>
      tpu.vector_store %arg5[%swap3A_104, %swap3A_105], %swap3A_108 {strides = array<i32>} : memref<64x128xf32, #tpu.memory_space<vmem>>, vector<1x16xf32>,
      %swap3A_109 = arith.index_cast %scan3A_78 : i32 to index
      %swap3A_110 = arith.constant 96 : index
      %swap3A_111 = tpu.vector_load %arg5[%swap3A_109, %swap3A_110] {strides = array<i32>} : memref<64x128xf32, #tpu.memory_space<vmem>>, vector<1x16xf32>,
      %swap3A_112 = vector.shape_cast %swap3A_111 : vector<1x16xf32> to vector<16xf32>
      %swap3A_113 = vector.shape_cast %broadcast_in_dim3A_49 : vector<16xf32> to vector<1x16xf32>
      tpu.vector_store %arg5[%swap3A_109, %swap3A_110], %swap3A_113 {strides = array<i32>} : memref<64x128xf32, #tpu.memory_space<vmem>>, vector<1x16xf32>,
      %swap3A_114 = arith.index_cast %scan3A_78 : i32 to index
      %swap3A_115 = arith.constant 112 : index
      %swap3A_116 = tpu.vector_load %arg5[%swap3A_114, %swap3A_115] {strides = array<i32>} : memref<64x128xf32, #tpu.memory_space<vmem>>, vector<1x16xf32>,
      %swap3A_117 = vector.shape_cast %swap3A_116 : vector<1x16xf32> to vector<16xf32>
      %swap3A_118 = vector.shape_cast %broadcast_in_dim3A_49 : vector<16xf32> to vector<1x16xf32>
      tpu.vector_store %arg5[%swap3A_114, %swap3A_115], %swap3A_118 {strides = array<i32>} : memref<64x128xf32, #tpu.memory_space<vmem>>, vector<1x16xf32>,
      %scan3A_119 = arith.constant 0 : i32
      scf.yield %scan3A_119 : i32
    }
    %scan3A_56 = arith.constant 64 : i32
    %barrier3A = arith.constant 0 : index
    tpu.barrier barrier_id(%barrier3A)
    %mul3A_57 = arith.constant 80 : i32
    %mul3A_58 = arith.muli %add3A, %mul3A_57 : i32
    "tpu.region"() ({
      %run_scoped3A = tpu.sem_alloc : memref<!tpu.dma_semaphore, #tpu.memory_space<semaphore_mem>>
      %dma_start3A = arith.constant 0 : i32
      %dma_start3A_78 = tpu.memref_slice %arg2[%mul3A_58, %dma_start3A] : memref<2560x64xi32, #tpu.memory_space<hbm>> -> memref<80x64xi32, #tpu.memory_space<hbm>>
      %dma_start3A_79 = arith.constant 0 : i32
      %dma_start3A_80 = tpu.memref_slice %arg2[%mul3A_58, %dma_start3A_79] : memref<2560x64xi32, #tpu.memory_space<hbm>> -> memref<80x64xi32, #tpu.memory_space<hbm>>
      tpu.enqueue_dma source(%dma_start3A_80 : memref<80x64xi32, #tpu.memory_space<hbm>>) target(%arg4 : memref<80x64xi32, #tpu.memory_space<vmem>>) target_semaphore(%run_scoped3A : memref<!tpu.dma_semaphore, #tpu.memory_space<semaphore_mem>>)
      %dma_wait3A = arith.constant 0 : i32
      %dma_wait3A_81 = tpu.memref_slice %arg2[%mul3A_58, %dma_wait3A] : memref<2560x64xi32, #tpu.memory_space<hbm>> -> memref<80x64xi32, #tpu.memory_space<hbm>>
      %dma_wait3A_82 = arith.constant 0 : i32
      %dma_wait3A_83 = tpu.memref_slice %arg2[%mul3A_58, %dma_wait3A_82] : memref<2560x64xi32, #tpu.memory_space<hbm>> -> memref<80x64xi32, #tpu.memory_space<hbm>>
      tpu.wait_dma2 semaphore(%run_scoped3A : memref<!tpu.dma_semaphore, #tpu.memory_space<semaphore_mem>>) src(%dma_wait3A_83 : memref<80x64xi32, #tpu.memory_space<hbm>>) dst(%arg4 : memref<80x64xi32, #tpu.memory_space<vmem>>)
      tpu.yield
    }) : () -> ()
    %scan3A_59 = arith.constant 0 : i32
    %scan3A_60 = arith.constant 0 : i32
    %scan3A_61 = arith.constant 80 : i32
    %scan3A_62 = arith.addi %scan3A_60, %scan3A_61 : i32
    %scan3A_63 = arith.constant 1 : i32
    %scan3A_64 = scf.for %scan3A_78 = %scan3A_60 to %scan3A_62 step %scan3A_63 iter_args(%scan3A_79 = %scan3A_59) -> (i32)  : i32 {
      %dma_start3A = arith.constant 0 : i32
      %dma_start3A_80 = tpu.memref_slice %arg4[%scan3A_78, %dma_start3A] : memref<80x64xi32, #tpu.memory_space<vmem>> -> memref<1x64xi32, #tpu.memory_space<vmem>>
      %dma_start3A_81 = tpu.memref_squeeze %dma_start3A_80 : memref<1x64xi32, #tpu.memory_space<vmem>> -> memref<64xi32, #tpu.memory_space<vmem>>
      %dma_start3A_82 = arith.constant 0 : i32
      %dma_start3A_83 = arith.constant 0 : i32
      %dma_start3A_84 = tpu.memref_slice %arg6[%dma_start3A_82, %dma_start3A_83] : memref<10240x128xf32, #tpu.memory_space<vmem_shared>> -> memref<10240x128xf32, #tpu.memory_space<vmem_shared>>
      tpu.enqueue_indirect_dma source(%arg5 : memref<64x128xf32, #tpu.memory_space<vmem>>) target(%dma_start3A_84 : memref<10240x128xf32, #tpu.memory_space<vmem_shared>>) offsets(%dma_start3A_81 : memref<64xi32, #tpu.memory_space<vmem>>) semaphore(%arg7 : memref<!tpu.dma_semaphore, #tpu.memory_space<semaphore_mem>>) {add = true}
      %scan3A_85 = arith.constant 0 : i32
      scf.yield %scan3A_85 : i32
    }
    %scan3A_65 = arith.constant 80 : i32
    %scan3A_66 = arith.constant 0 : i32
    %scan3A_67 = arith.constant 0 : i32
    %scan3A_68 = arith.constant 80 : i32
    %scan3A_69 = arith.addi %scan3A_67, %scan3A_68 : i32
    %scan3A_70 = arith.constant 1 : i32
    %scan3A_71 = scf.for %scan3A_78 = %scan3A_67 to %scan3A_69 step %scan3A_70 iter_args(%scan3A_79 = %scan3A_66) -> (i32)  : i32 {
      %dma_wait3A = arith.constant 0 : i32
      %dma_wait3A_80 = arith.constant 0 : i32
      %dma_wait3A_81 = tpu.memref_slice %arg4[%dma_wait3A, %dma_wait3A_80] : memref<80x64xi32, #tpu.memory_space<vmem>> -> memref<1x64xi32, #tpu.memory_space<vmem>>
      %dma_wait3A_82 = tpu.memref_squeeze %dma_wait3A_81 : memref<1x64xi32, #tpu.memory_space<vmem>> -> memref<64xi32, #tpu.memory_space<vmem>>
      %dma_wait3A_83 = arith.constant 0 : i32
      %dma_wait3A_84 = arith.constant 0 : i32
      %dma_wait3A_85 = tpu.memref_slice %arg6[%dma_wait3A_83, %dma_wait3A_84] : memref<10240x128xf32, #tpu.memory_space<vmem_shared>> -> memref<10240x128xf32, #tpu.memory_space<vmem_shared>>
      tpu.wait_indirect_dma semaphore(%arg7 : memref<!tpu.dma_semaphore, #tpu.memory_space<semaphore_mem>>) src(%arg5 : memref<64x128xf32, #tpu.memory_space<vmem>>) dst(%dma_wait3A_85 : memref<10240x128xf32, #tpu.memory_space<vmem_shared>>)
      %scan3A_86 = arith.constant 0 : i32
      scf.yield %scan3A_86 : i32
    }
    %scan3A_72 = arith.constant 80 : i32
    %barrier3A_73 = arith.constant 0 : index
    tpu.barrier barrier_id(%barrier3A_73)
    %mul3A_74 = arith.constant 640 : i32
    %mul3A_75 = arith.muli %arg1, %mul3A_74 : i32
    %mul3A_76 = arith.constant 640 : i32
    %mul3A_77 = arith.muli %arg1, %mul3A_76 : i32
    "tpu.region"() ({
      %run_scoped3A = tpu.sem_alloc : memref<!tpu.dma_semaphore, #tpu.memory_space<semaphore_mem>>
      %dma_start3A = arith.constant 0 : i32
      %dma_start3A_78 = tpu.memref_slice %arg3[%arg0, %mul3A_77, %dma_start3A] : memref<2x10240x128xf32, #tpu.memory_space<hbm>> -> memref<1x640x128xf32, #tpu.memory_space<hbm>>
      %dma_start3A_79 = tpu.memref_squeeze %dma_start3A_78 : memref<1x640x128xf32, #tpu.memory_space<hbm>> -> memref<640x128xf32, #tpu.memory_space<hbm>>
      %dma_start3A_80 = arith.constant 0 : i32
      %dma_start3A_81 = tpu.memref_slice %arg6[%mul3A_75, %dma_start3A_80] : memref<10240x128xf32, #tpu.memory_space<vmem_shared>> -> memref<640x128xf32, #tpu.memory_space<vmem_shared>>
      tpu.enqueue_dma source(%dma_start3A_81 : memref<640x128xf32, #tpu.memory_space<vmem_shared>>) target(%dma_start3A_79 : memref<640x128xf32, #tpu.memory_space<hbm>>) target_semaphore(%run_scoped3A : memref<!tpu.dma_semaphore, #tpu.memory_space<semaphore_mem>>)
      %dma_wait3A = arith.constant 0 : i32
      %dma_wait3A_82 = tpu.memref_slice %arg3[%arg0, %mul3A_77, %dma_wait3A] : memref<2x10240x128xf32, #tpu.memory_space<hbm>> -> memref<1x640x128xf32, #tpu.memory_space<hbm>>
      %dma_wait3A_83 = tpu.memref_squeeze %dma_wait3A_82 : memref<1x640x128xf32, #tpu.memory_space<hbm>> -> memref<640x128xf32, #tpu.memory_space<hbm>>
      %dma_wait3A_84 = arith.constant 0 : i32
      %dma_wait3A_85 = tpu.memref_slice %arg6[%mul3A_75, %dma_wait3A_84] : memref<10240x128xf32, #tpu.memory_space<vmem_shared>> -> memref<640x128xf32, #tpu.memory_space<vmem_shared>>
      tpu.wait_dma2 semaphore(%run_scoped3A : memref<!tpu.dma_semaphore, #tpu.memory_space<semaphore_mem>>) src(%dma_wait3A_85 : memref<640x128xf32, #tpu.memory_space<vmem_shared>>) dst(%dma_wait3A_83 : memref<640x128xf32, #tpu.memory_space<hbm>>)
      tpu.yield
    }) : () -> ()
    return
  }
}

</mosaic_0001>

<sc_bundles>
// kernel: _deg_call.3.cloned.1.call-start
scs
__scs_entry_jumppad:
0x0: {  	(pc) =	sbr.rel $0x88, $3  }
0x1: {  	(tag) =	ssettag $0x0;
	lr =	simm.s32 $0x1  }
0x2: {  	[smem:$0x3FA0] =	sst lr;
	_ =	strace $0xD0000000  }
0x3: {  	_ = 	snop  }
0x4: {  	_ = 	snop  }
0x5: {  	_ = 	snop  }
0x6: {  	_ = 	snop  }
0x7: {  	_ = 	snop  }
__scs_overlays_trampoline_lowered:
0x8: {  	[smem:$0x3FAF] =	sst s0  }
0x9: {  	[smem:$0x3FB0] =	sst s1  }
0xa: {  	[smem:$0x3FB1] =	sst s2  }
0xb: {  	[smem:$0x3FB2] =	sst s3  }
0xc: {  	[smem:$0x3FB3] =	sst s4  }
0xd: {  	[smem:$0x3FB4] =	sst s5  }
0xe: {  	[smem:$0x3FB5] =	sst s6  }
0xf: {  	[smem:$0x3FB6] =	sst s7  }
0x10: {  	[smem:$0x3FB7] =	sst s8  }
0x11: {  	[smem:$0x3FB8] =	sst s9;
	s0 =	simm.s32 @!p0 $0x0  }
0x12: {  	s1 =	sld [smem:$0x3F9E];
	s0 =	simm.s32 @p0 $0x1  }
0x13: {  	[smem:$0x3FB9] =	sst s0;
	s0 =	simm.s32 @!p1 $0x0  }
0x14: {  	s2 =	sld [smem:$0x3F9D];
	s0 =	simm.s32 @p1 $0x1  }
0x15: {  	[smem:$0x3FBA] =	sst s0;
	s0 =	simm.s32 @!p2 $0x0  }
0x16: {  	s3 =	sld [smem:$0x3FDB];
	s0 =	simm.s32 @p2 $0x1  }
0x17: {  	s4 =	simm.s32 $0x1BF5;
	[smem:$0x3FBC] =	sst s0  }
0x18: {  	s0 =	sld [smem:$0x3F9F];
	_ =	swait.ge [sflag:s4], $0x0  }
0x19: {  	s7 =	sld [smem:$0x3FA0]  }
0x1a: {  	s8 =	sadd.s32 $0xFFFFE003, lr  }
0x1b: {  	s9 =	sadd.s32 $0xFFFFFEF7, lr;
	s5 =	simm.s32 $0xFFFFFFFF;
	p2 =	slt.u32 s8, $0xFFFFF086  }
0x1c: {  	p1 =	slt.u32 s9, $0xF7A;
	s5 =	simm.s32 @!p2 $0x0  }
0x1d: {  	s5 =	simm.s32 @p1 $0x1;
	p0 =	seq.s32 s7, s2  }
0x1e: {  	s7 =	smul.u32 @!p0 $0xF7A, s2;
	p2 =	seq.s32 @!p0 s5, $0x0  }
0x1f: {  	s9 =	smul.u32 $0xF7A, s1;
	s8 =	simm.s32 @!p0 $0x1BF5;
	p2 =	por !p2, p0  }
0x20: {  	[sflag:s8] =	ssyncset.s32 @!p0 $0xFFFFF086;
	s6 =	sadd.s32 @!p0 s3, s7;
	s7 =	simm.s32 @!p0 $0x108  }
0x21: {  	s3 =	sadd.s32 s3, s9;
	s6 =	sadd.s32 @!p0 $0x88, s6;
	s7 =	simm.s32 @p2 $0x1082  }
0x22: {  	[simem:s7], [sflag:s8] =	dma.local @!p0 [hbm:s6], $0xF7A  }
0x23: {  	s9 =	sor.u32 $0xD0000000, s2;
	s6 =	simm.s32 $0x108;
	_ =	swait.ge @!p0 [sflag:s8], $0x0  }
0x24: {  	s3 =	sadd.s32 $0x88, s3;
	s6 =	simm.s32 @!p1 $0x1082;
	[sflag:s4] =	ssyncset.s32 $0xFFFFF086  }
0x25: {  	[simem:s6], [sflag:s4] =	dma.local [hbm:s3], $0xF7A  }
0x26: {  	[smem:$0x3FA0] =	sst s1;
	(tag) =	ssettag s2;
	_ =	strace s9  }
0x27: {  	s1 =	sld [smem:$0x3FB0]  }
0x28: {  	s2 =	sld [smem:$0x3FB1]  }
0x29: {  	s4 =	sld [smem:$0x3FB3]  }
0x2a: {  	p0 =	seq.s32 s5, $0x0;
	s5 =	sld [smem:$0x3FB4]  }
0x2b: {  	s6 =	sld [smem:$0x3FB5]  }
0x2c: {  	s7 =	sld [smem:$0x3FB6]  }
0x2d: {  	s3 =	simm.s32 $0x108;
	s8 =	sld [smem:$0x3FB7]  }
0x2e: {  	s3 =	simm.s32 @!p0 $0x1082;
	s9 =	sld [smem:$0x3FB8]  }
0x2f: {  	lr =	sadd.s32 s0, s3;
	s0 =	sld [smem:$0x3FAF]  }
0x30: {  	s3 =	sld [smem:$0x3FB2]  }
0x31: {  	[smem:$0x3FBB] =	sst s10  }
0x32: {  	s10 =	sld [smem:$0x3FB9];
	_ =	sdelay $0x3  }
0x33: {  	p0 =	seq.s32 s10, $0x1;
	s10 =	sld [smem:$0x3FBB];
	_ =	sdelay $0x3  }
0x34: {  	[smem:$0x3FBB] =	sst s10  }
0x35: {  	s10 =	sld [smem:$0x3FBA];
	_ =	sdelay $0x3  }
0x36: {  	p1 =	seq.s32 s10, $0x1;
	s10 =	sld [smem:$0x3FBB];
	_ =	sdelay $0x3  }
0x37: {  	[smem:$0x3FBB] =	sst s10  }
0x38: {  	s10 =	sld [smem:$0x3FBC]  }
0x39: {  	_ = 	snop;
	(pc) =	sbr.ind lr, $3  }
0x3a: {  	_ = 	snop  }
0x3b: {  	_ = 	snop  }
0x3c: {  	p2 =	seq.s32 s10, $0x1;
	s10 =	sld [smem:$0x3FBB]  }
0x3d: {  	_ =	shalt  }
0x3e: {  	_ =	shalt  }
0x3f: {  	_ =	shalt  }
0x40: {  	_ =	shalt  }
0x41: {  	_ =	shalt  }
0x42: {  	_ =	shalt  }
0x43: {  	_ =	shalt  }
0x44: {  	_ =	shalt  }
0x45: {  	_ =	shalt  }
0x46: {  	_ =	shalt  }
0x47: {  	_ =	shalt  }
0x48: {  	_ =	shalt  }
0x49: {  	_ =	shalt  }
0x4a: {  	_ =	shalt  }
0x4b: {  	_ =	shalt  }
0x4c: {  	_ =	shalt  }
0x4d: {  	_ =	shalt  }
0x4e: {  	_ =	shalt  }
0x4f: {  	_ =	shalt  }
0x50: {  	_ =	shalt  }
0x51: {  	_ =	shalt  }
0x52: {  	_ =	shalt  }
0x53: {  	_ =	shalt  }
0x54: {  	_ =	shalt  }
0x55: {  	_ =	shalt  }
0x56: {  	_ =	shalt  }
0x57: {  	_ =	shalt  }
0x58: {  	_ =	shalt  }
0x59: {  	_ =	shalt  }
0x5a: {  	_ =	shalt  }
0x5b: {  	_ =	shalt  }
0x5c: {  	_ =	shalt  }
0x5d: {  	_ =	shalt  }
0x5e: {  	_ =	shalt  }
0x5f: {  	_ =	shalt  }
0x60: {  	_ =	shalt  }
0x61: {  	_ =	shalt  }
0x62: {  	_ =	shalt  }
0x63: {  	_ =	shalt  }
0x64: {  	_ =	shalt  }
0x65: {  	_ =	shalt  }
0x66: {  	_ =	shalt  }
0x67: {  	_ =	shalt  }
0x68: {  	_ =	shalt  }
0x69: {  	_ =	shalt  }
0x6a: {  	_ =	shalt  }
0x6b: {  	_ =	shalt  }
0x6c: {  	_ =	shalt  }
0x6d: {  	_ =	shalt  }
0x6e: {  	_ =	shalt  }
0x6f: {  	_ =	shalt  }
0x70: {  	_ =	shalt  }
0x71: {  	_ =	shalt  }
0x72: {  	_ =	shalt  }
0x73: {  	_ =	shalt  }
0x74: {  	_ =	shalt  }
0x75: {  	_ =	shalt  }
0x76: {  	_ =	shalt  }
0x77: {  	_ =	shalt  }
0x78: {  	_ =	shalt  }
0x79: {  	_ =	shalt  }
0x7a: {  	_ =	shalt  }
0x7b: {  	_ =	shalt  }
0x7c: {  	_ =	shalt  }
0x7d: {  	_ =	shalt  }
0x7e: {  	_ =	shalt  }
0x7f: {  	_ =	shalt  }
0x80: {  	_ =	shalt  }
0x81: {  	_ =	shalt  }
0x82: {  	_ =	shalt  }
0x83: {  	_ =	shalt  }
0x84: {  	_ =	shalt  }
0x85: {  	_ =	shalt  }
0x86: {  	_ =	shalt  }
0x87: {  	_ =	shalt  }
.Lfunc_end0:
.L_simem_size_0:
called_computation_lowered:
.L_overlay_start_0:
0x88: {  	s2 =	sld [smem:$0x3FD9]  }
0x89: {  	s3 =	sld [smem:$0x3FFE];
	_ =	sdelay $0x1  }
0x8a: {  	s1 =	srdreg.scid  }
0x8b: {  	s0 =	sand.u32 $0x1, s1  }
0x8c: {  	s17 =	sshll.u32 s0, $0xA;
	s2 =	sadd.s32 s3, s2  }
0x8d: {  	s2 =	sadd.s32 s2, s17  }
0x8e: {  	[smem:$0x3FC7] =	sst s2  }
0x8f: {  	_ = 	snop  }
0x90: {  	s2 =	sld [smem:$0x3FD0];
	(tm) =	ssettm $0x1  }
0x91: {  	s18 =	sld [smem:$0x3FFB];
	_ =	sdelay $0x3  }
0x92: {  	_ =	strace s18  }
0x93: {  	s3 =	sld [smem:$0x3FFC];
	_ =	sdelay $0x3  }
0x94: {  	_ =	strace s3  }
0x95: {  	s3 =	sld [smem:$0x3FFD];
	_ =	sdelay $0x3  }
0x96: {  	_ =	strace s3  }
0x97: {  	_ =	strace $0x8FFFFFFF  }
0x98: {  	s19 =	sld [smem:$0x3FDB];
	_ =	sdelay $0x1  }
0x99: {  	s4 =	simm.s32 $_scs_section_size  }
0x9a: {  	s5 =	simm.s32 $_size__tile_overlayer_lowered;
	s6 =	simm.s32 $_tile_overlayer_lowered  }
0x9b: {  	s22 =	simm.s32 $0x1BFF;
	s21 =	sshll.u32 s6, $0x1;
	s3 =	sadd.s32 s4, s19  }
0x9c: {  	s7 =	simm.s32 $0x0;
	s20 =	sshll.u32 s5, $0x1;
	s5 =	sadd.s32 s21, s3  }
0x9d: {  	[timem:s7], [sflag:s22] =	dma.local [hbm:s5], s20  }
0x9e: {  	_ =	swait.ge [sflag:s22], s20  }
0x9f: {  	s4 =	ssub.s32 $0x0, s20;
	[sflag:s22] =	ssyncset.done $0x0  }
0xa0: {  	[sflag:s22] =	ssyncadd.s32 s4;
	_ =	sdelay $0x1  }
0xa1: {  	s23 =	simm.s32 $0x1B8B  }
0xa2: {  	_ =	swait.ge [sflag:s23], $0x1  }
0xa3: {  	[sflag:s23] =	ssyncset.done $0x0  }
0xa4: {  	s25 =	simm.s32 $0x1B8E;
	s24 =	sld [smem:$0x3FFE];
	[sflag:s23] =	ssyncadd.s32 $0xFFFFFFFF  }
0xa5: {  	s26 =	simm.s32 $execute0_lowered;
	[smem:$0x3FD2] =	sst s25  }
0xa6: {  	s5 =	sshll.u32 s26, $0x1;
	_ =	strace $0x80000046;
	[dreg:$0x1] =	wrdreg $0xFFFFFFFF  }
0xa7: {  	s28 =	simm.s32 $_size_execute0_lowered;
	s3 =	sadd.s32 s3, s5;
	[dreg:$0x0] =	wrdreg $0x0  }
0xa8: {  	s5 =	sshll.u32 s28, $0x1;
	[dreg:$0x2] =	wrdreg s3  }
0xa9: {  	[dreg:$0x3] =	wrdreg s5  }
0xaa: {  	[dreg:$0x4] =	wrdreg $0xC0  }
0xab: {  	_ =	task [dreg:s7], $0x5FFFF  }
0xac: {  	[dreg:$0x1] =	wrdreg $0xFFFFFFFF  }
0xad: {  	[dreg:$0x0] =	wrdreg $0x60  }
0xae: {  	[dreg:$0x2] =	wrdreg s24  }
0xaf: {  	[dreg:$0x3] =	wrdreg s2  }
0xb0: {  	[dreg:$0x4] =	wrdreg $0x48000  }
0xb1: {  	[dreg:$0x5] =	wrdreg $0x9  }
0xb2: {  	_ =	task.clear_ibuf [dreg:s7], $0x6FFFF;
	_ =	strace $0x90000046  }
0xb3: {  	s29 =	simm.s32 $0x9;
	_ =	strace $0x80000048  }
0xb4: {  	_ =	swait.ge [sflag:s29], $0x1  }
0xb5: {  	[sflag:s29] =	ssyncadd.s32 $0xFFFFFFFF  }
0xb6: {  	_ =	strace $0x90000048  }
0xb7: {  	_ =	sfence  }
0xb8: {  	s30 =	sld [smem:$0x0];
	_ =	sdelay $0x2  }
0xb9: {  	s31 =	sshll.u32 s1, $0xD;
	s1 =	sshrl.u32 s1, $0x2  }
0xba: {  	s3 =	sand.u32 $0x4000, s31;
	s1 =	sadd.s32 s1, s30  }
0xbb: {  	s0 =	sor.u32 s3, s0;
	s1 =	sshll.u32 s1, $0x11  }
0xbc: {  	s0 =	sor.u32 s1, s0  }
0xbd: {  	s0 =	sadd.s32 $0x8F2B, s0  }
0xbe: {  	[sflag:s0] =	ssyncadd.remote.s32 $0x1  }
0xbf: {  	_ =	sfence.sel $0xFFFF  }
0xc0: {  	[dreg:$0x0] =	wrdreg $0xFFFFFFFF;
	(pc) =	sbr.abs _section_cstart, $3  }
0xc1: {  	[dreg:$0x1] =	wrdreg $0xFFFFFFFF  }
0xc2: {  	_ =	task.clear_ibuf [dreg:s7], $0x2FFFF;
	_ =	strace $0x9FFFFFFF  }
0xc3: {  	(tm) =	ssettm $0x7FFFFFFF  }
tec
execute0_lowered:
.L_overlay_start_1:
0x0: {  	(tag) =	ssettag $0x1  }
0x1: {  	s4 =	rddreg [dreg:$0x0]  }
0x2: {  	s15 =	rddreg [dreg:$0x1]  }
0x3: {  	s0 =	srdreg.scid;
	s2 =	rddreg [dreg:$0x2]  }
0x4: {  	s1 =	stileid.u32;
	s3 =	simm.s32 $0x0;
	s18 =	simm.s32 $0x2  }
0x5: {  	s19 =	simm.s32 $0x40;
	s6 =	sand.u32 $0x1, s0;
	s0 =	rddreg [dreg:$0x3]  }
0x6: {  	s20 =	simm.s32 $0x1;
	s7 =	smul.u32 $0x50000, s1;
	[smem:$0x7FF] =	sst s3  }
0x7: {  	s17 =	smul.u32 $0x14000, s1;
	s21 =	sshll.u32 s1, $0x6;
	s5 =	sshll.u32 s6, $0x4  }
0x8: {  	_ =	strace $0x80000047;
	s8 =	ssub.s32 $0x2, s6;
	s13 =	smul.u32 $0x140000, s6  }
0x9: {  	s21 =	sor.u32 $0x1C02, s21;
	s5 =	sor.u32 s1, s5;
	s31 =	sshrl.u32 s8, $0x1  }
0xa: {  	s5 =	smul.u32 $0x500, s5;
	s16 =	ssub.s32 s8, s31;
	s17 =	sadd.s32 s17, s13  }
0xb: {  	s7 =	sshrl.u32 s7, $0x2;
	s17 =	sshrl.u32 s17, $0x3;
	s16 =	smax.u32 s16, $0x1  }
0xc: {  	s14 =	sadd.s32 s5, s4;
	s4 =	sadd.s32 s7, s2;
	s15 =	sadd.s32 s15, s17  }
0xd: {  	s17 =	simm.s32 $0x2800;
	s5 =	sadd.s32 $0x2000, s4;
	s6 =	sadd.s32 $0x4000, s4  }
0xe: {  	s7 =	sadd.s32 $0x6000, s4;
	s8 =	sadd.s32 $0x8000, s4;
	s9 =	sadd.s32 $0xA000, s4  }
0xf: {  	s10 =	sadd.s32 $0xC000, s4;
	s11 =	sadd.s32 $0xE000, s4;
	s12 =	sadd.s32 $0x10000, s4  }
0x10: {  	v0 =	vimm.f32 $0.0e+00;
	v1 =	vimm.f32 $1.000000000e+00;
	s13 =	sadd.s32 $0x12000, s4;
	s14 =	sadd.s32 $0x400, s14;
	s22 =	sshrl.u32 s4, $0x3  }
.LBB2_1:
0x11: {  	s23 =	simm.s32 $0x0;
	s24 =	simm.s32 $0x200  }
.LBB2_2:
0x12: {  	p0 =	sne.s32 s24, $0x7E00;
	[tilespmem:s23+$0x2870] =	vst v0  }
0x13: {  	[tilespmem:s23+$0x2800] =	vst v0  }
0x14: {  	[tilespmem:s23+$0x2810] =	vst v0  }
.Ltmp0:
0x15: {  	[tilespmem:s23+$0x2820] =	vst v0;
	(pc) =	sbr.rel @p0 .LBB2_2-.Ltmp0, $4  }
0x16: {  	[tilespmem:s23+$0x2830] =	vst v0  }
0x17: {  	[tilespmem:s23+$0x2840] =	vst v0  }
0x18: {  	[tilespmem:s23+$0x2850] =	vst v0  }
0x19: {  	[tilespmem:s23+$0x2860] =	vst v0;
	s23 =	sshra.s32 s24, $0x2;
	s24 =	sadd.s32 $0x200, s24  }
0x1a: {  	[tilespmem:s23+$0x2870] =	vst v0  }
0x1b: {  	[tilespmem:s23+$0x2800] =	vst v0  }
0x1c: {  	[tilespmem:s23+$0x2810] =	vst v0  }
0x1d: {  	[tilespmem:s23+$0x2820] =	vst v0  }
0x1e: {  	[tilespmem:s23+$0x2830] =	vst v0  }
0x1f: {  	[tilespmem:s23+$0x2840] =	vst v0  }
0x20: {  	[tilespmem:s23+$0x2850] =	vst v0  }
0x21: {  	[tilespmem:s23+$0x2860] =	vst v0  }
0x22: {  	[spmem:s4] =	stream.linear.scatter [tilespmem:s17], [sflag:$0x2], $0x2000, $0x38;
	[tilespmem:$0x18800] =	vst v63  }
0x23: {  	_ =	swait.ge [sflag:s18], $0x2000  }
0x24: {  	[sflag:s18] =	ssyncset.done $0x0  }
0x25: {  	[sflag:s18] =	ssyncadd.s32 $0xFFFFE000  }
0x26: {  	[spmem:s5] =	stream.linear.scatter [tilespmem:s17], [sflag:$0x2], $0x2000, $0x38;
	[tilespmem:$0x18800] =	vst v63  }
0x27: {  	_ =	swait.ge [sflag:s18], $0x2000  }
0x28: {  	[sflag:s18] =	ssyncset.done $0x0  }
0x29: {  	[sflag:s18] =	ssyncadd.s32 $0xFFFFE000  }
0x2a: {  	[spmem:s6] =	stream.linear.scatter [tilespmem:s17], [sflag:$0x2], $0x2000, $0x38;
	[tilespmem:$0x18800] =	vst v63  }
0x2b: {  	_ =	swait.ge [sflag:s18], $0x2000  }
0x2c: {  	[sflag:s18] =	ssyncset.done $0x0  }
0x2d: {  	[sflag:s18] =	ssyncadd.s32 $0xFFFFE000  }
0x2e: {  	[spmem:s7] =	stream.linear.scatter [tilespmem:s17], [sflag:$0x2], $0x2000, $0x38;
	[tilespmem:$0x18800] =	vst v63  }
0x2f: {  	_ =	swait.ge [sflag:s18], $0x2000  }
0x30: {  	[sflag:s18] =	ssyncset.done $0x0  }
0x31: {  	[sflag:s18] =	ssyncadd.s32 $0xFFFFE000  }
0x32: {  	[spmem:s8] =	stream.linear.scatter [tilespmem:s17], [sflag:$0x2], $0x2000, $0x38;
	[tilespmem:$0x18800] =	vst v63  }
0x33: {  	_ =	swait.ge [sflag:s18], $0x2000  }
0x34: {  	[sflag:s18] =	ssyncset.done $0x0  }
0x35: {  	[sflag:s18] =	ssyncadd.s32 $0xFFFFE000  }
0x36: {  	[spmem:s9] =	stream.linear.scatter [tilespmem:s17], [sflag:$0x2], $0x2000, $0x38;
	[tilespmem:$0x18800] =	vst v63  }
0x37: {  	_ =	swait.ge [sflag:s18], $0x2000  }
0x38: {  	[sflag:s18] =	ssyncset.done $0x0  }
0x39: {  	[sflag:s18] =	ssyncadd.s32 $0xFFFFE000  }
0x3a: {  	[spmem:s10] =	stream.linear.scatter [tilespmem:s17], [sflag:$0x2], $0x2000, $0x38;
	[tilespmem:$0x18800] =	vst v63  }
0x3b: {  	_ =	swait.ge [sflag:s18], $0x2000  }
0x3c: {  	[sflag:s18] =	ssyncset.done $0x0  }
0x3d: {  	[sflag:s18] =	ssyncadd.s32 $0xFFFFE000  }
0x3e: {  	[spmem:s11] =	stream.linear.scatter [tilespmem:s17], [sflag:$0x2], $0x2000, $0x38;
	[tilespmem:$0x18800] =	vst v63  }
0x3f: {  	_ =	swait.ge [sflag:s18], $0x2000  }
0x40: {  	[sflag:s18] =	ssyncset.done $0x0  }
0x41: {  	[sflag:s18] =	ssyncadd.s32 $0xFFFFE000  }
0x42: {  	[spmem:s12] =	stream.linear.scatter [tilespmem:s17], [sflag:$0x2], $0x2000, $0x38;
	[tilespmem:$0x18800] =	vst v63  }
0x43: {  	_ =	swait.ge [sflag:s18], $0x2000  }
0x44: {  	[sflag:s18] =	ssyncset.done $0x0  }
0x45: {  	[sflag:s18] =	ssyncadd.s32 $0xFFFFE000  }
0x46: {  	[spmem:s13] =	stream.linear.scatter [tilespmem:s17], [sflag:$0x2], $0x2000, $0x38;
	[tilespmem:$0x18800] =	vst v63  }
0x47: {  	_ =	swait.ge [sflag:s18], $0x2000  }
0x48: {  	[sflag:s18] =	ssyncset.done $0x0  }
0x49: {  	s23 =	simm.s32 $0x0;
	s24 =	simm.s32 $0x200;
	[sflag:s18] =	ssyncadd.s32 $0xFFFFE000  }
.LBB2_4:
0x4a: {  	p0 =	sne.s32 s24, $0x7E00;
	[tilespmem:s23+$0x2870] =	vst v1  }
0x4b: {  	[tilespmem:s23+$0x2800] =	vst v1  }
0x4c: {  	[tilespmem:s23+$0x2810] =	vst v1  }
.Ltmp1:
0x4d: {  	[tilespmem:s23+$0x2820] =	vst v1;
	(pc) =	sbr.rel @p0 .LBB2_4-.Ltmp1, $4  }
0x4e: {  	[tilespmem:s23+$0x2830] =	vst v1  }
0x4f: {  	[tilespmem:s23+$0x2840] =	vst v1  }
0x50: {  	[tilespmem:s23+$0x2850] =	vst v1  }
0x51: {  	[tilespmem:s23+$0x2860] =	vst v1;
	s23 =	sshra.s32 s24, $0x2;
	s24 =	sadd.s32 $0x200, s24  }
0x52: {  	[tilespmem:s23+$0x2870] =	vst v1  }
0x53: {  	[tilespmem:s23+$0x2800] =	vst v1  }
0x54: {  	[tilespmem:s23+$0x2810] =	vst v1  }
0x55: {  	[tilespmem:s23+$0x2820] =	vst v1  }
0x56: {  	[tilespmem:s23+$0x2830] =	vst v1  }
0x57: {  	[tilespmem:s23+$0x2840] =	vst v1  }
0x58: {  	[tilespmem:s23+$0x2850] =	vst v1  }
0x59: {  	[tilespmem:s23+$0x2860] =	vst v1  }
0x5a: {  	s23 =	simm.s32 $0x0;
	[bflag:$0x0] =	sbarrier.arrive $0xFFFF  }
0x5b: {  	[tilespmem:s23], [sflag:$0x2] =	stream.linear.gather [hbm4b:s14+s23], $0x2800, $0x38;
	[tilespmem:$0x18800] =	vst v63  }
0x5c: {  	_ =	swait.ge [sflag:s18], $0x2800  }
0x5d: {  	[sflag:s18] =	ssyncset.done $0x0  }
0x5e: {  	[sflag:s18] =	ssyncadd.s32 $0xFFFFD800  }
.LBB2_6:
0x5f: {  	p0 =	sne.s32 s23, $0x9E00  }
.Ltmp2:
0x60: {  	_ = 	snop;
	(pc) =	sbr.rel @p0 .LBB2_6-.Ltmp2, $3  }
0x61: {  	_ =	sdelay $0x1  }
0x62: {  	s24 =	sshra.s32 s23, $0x2;
	s23 =	sadd.s32 $0x200, s23  }
0x63: {  	[spmem:s2] =	stream.indirect.scatter.add.f32 [tilespmem:s17], [sflag:$0x1], $0x80, s24, s19, $0xb8;
	[tilespmem:$0x18800] =	vst v63  }
0x64: {  	_ =	swait.ge [sflag:s20], $0x2000  }
0x65: {  	s23 =	simm.s32 $0x4F;
	[sflag:s20] =	ssyncset.done $0x0  }
.LBB2_8:
0x66: {  	p0 =	sne.s32 s23, $0x1;
	s23 =	sadd.s32 $0xFFFFFFFF, s23;
	[sflag:s20] =	ssyncadd.s32 $0xFFFFE000  }
.Ltmp3:
0x67: {  	(pc) =	sbr.rel @p0 .LBB2_8-.Ltmp3, $3  }
0x68: {  	_ =	sdelay $0x1  }
0x69: {  	_ =	swait.ge [sflag:s20], $0x2000  }
0x6a: {  	[sflag:s20] =	ssyncset.done $0x0  }
0x6b: {  	s3 =	sadd.s32 $0x1, s3  }
0x6c: {  	[sflag:s20] =	ssyncadd.s32 $0xFFFFE000;
	p0 =	sne.s32 s3, s16  }
.Ltmp4:
0x6d: {  	[bflag:$0x0] =	sbarrier.arrive $0xFFFF;
	(pc) =	sbr.rel @p0 .LBB2_1-.Ltmp4, $4  }
0x6e: {  	[hbm:s15], [sflag:s21] =	dma.local [spmem:s22], $0x2800  }
0x6f: {  	_ =	swait.ge [sflag:s18], $0x2800  }
0x70: {  	[sflag:s18] =	ssyncset.done $0x0  }
0x71: {  	[sflag:s18] =	ssyncadd.s32 $0xFFFFD800  }
0x72: {  	_ =	sfence.sel $0x180000  }
0x73: {  	[bflag:$0x0] =	sbarrier.arrive $0xFFFF  }
0x74: {  	p0 =	sne.s32 s1, $0x0;
	_ =	strace $0x90000047  }
0x75: {  	s0 =	sadd.s32 @!p0 $0x100000, s0;
	[bflag:$0x2] =	sbarrier.arrive $0xFFFF  }
0x76: {  	[sflag:s0] =	ssyncadd.tile.s32 @!p0 $0x1;
	_ =	shalt  }
.Lfunc_end2:
_tile_overlayer_lowered:
.L_overlay_start_2:
0x77: {  	(tag) =	ssettag $0x2  }
0x78: {  	s0 =	rddreg [dreg:$0x0];
	s2 =	stileid.u32  }
0x79: {  	s1 =	rddreg [dreg:$0x1];
	p0 =	sne.s32 s2, $0x0  }
0x7a: {  	s3 =	rddreg [dreg:$0x2];
	[bflag:$0x3] =	sbarrier.arrive $0xFFFF;
	s2 =	simm.s32 @!p0 $0x1C02  }
0x7b: {  	[timem:s3], [sflag:s2] =	dma.local @!p0 [hbm:s0], s1  }
0x7c: {  	s0 =	simm.s32 @!p0 $0x2  }
0x7d: {  	_ =	swait.ge @!p0 [sflag:s0], s1  }
0x7e: {  	s1 =	ssub.s32 @!p0 $0x0, s1;
	[sflag:s0] =	ssyncset.done @!p0 $0x0  }
0x7f: {  	[sflag:s0] =	ssyncadd.s32 @!p0 s1  }
0x80: {  	[bflag:$0x3] =	sbarrier.arrive $0xFFFF  }
0x81: {  	_ =	shalt  }

</sc_bundles>
